<compile_context>
chip_gen: v7x
topology: tpu7x:2x2x1
jax: 0.10.2.dev20260603
libtpu: 0.0.44.dev20260713+nightly
codegen_flags: <defaults>
</compile_context>

<pallas_src>
import functools

import jax
import jax.numpy as jnp
from jax import lax
from jax.experimental import pallas as pl
from jax.experimental.pallas import tpu as pltpu
from jax.experimental.pallas import tpu_sc as plsc

_NUM_CORES = 1
_NUM_SUBCORES = 16
_NUM_WORKERS = _NUM_CORES * _NUM_SUBCORES
_CHUNK = 128


@functools.lru_cache(maxsize=None)
def _make_gather(vocab, dim, batch):
    b_per_w = batch // _NUM_WORKERS
    n_chunks = b_per_w // _CHUNK
    mesh = plsc.VectorSubcoreMesh(core_axis_name="c", subcore_axis_name="s", num_cores=1)

    @functools.partial(
        pl.kernel,
        mesh=mesh,
        out_type=jax.ShapeDtypeStruct((batch, dim), jnp.float32),
        scratch_types=[
            pltpu.VMEM((b_per_w,), jnp.int32),
            pltpu.VMEM((b_per_w, dim), jnp.float32),
            pltpu.SemaphoreType.DMA,
        ],
        compiler_params=pltpu.CompilerParams(use_tc_tiling_on_sc=False),
    )
    def gather_kernel(table_hbm, idx_hbm, out_hbm, idx_v, rows_v, sem):
        wid = lax.axis_index("s") * _NUM_CORES + lax.axis_index("c")
        base = wid * b_per_w
        pltpu.sync_copy(idx_hbm.at[pl.ds(base, b_per_w)], idx_v)
        copies = [
            pltpu.async_copy(
                table_hbm.at[idx_v.at[pl.ds(j * _CHUNK, _CHUNK)]],
                rows_v.at[pl.ds(j * _CHUNK, _CHUNK)],
                sem,
            )
            for j in range(n_chunks)
        ]
        for c in copies:
            c.wait()
        pltpu.sync_copy(rows_v, out_hbm.at[pl.ds(base, b_per_w)])

    return gather_kernel


def kernel(labels, train, table):
    del train
    labels = labels.reshape(-1)
    return _make_gather(table.shape[0], table.shape[1], labels.shape[0])(
        table, labels
    )

# --- scband reference (transcript-rebuilt; emitter-appended) ---
"""Pipeline reference for scband-categorical-embedder-12738872999948 (READ-ONLY COPY).

The authoritative reference and input builder live on the scoring server;
editing this copy changes nothing except your own understanding.
"""

import jax, jax.numpy as jnp
import numpy as np

NUM_CLASSES = 1000000
HIDDEN_SIZE = 64
DROPOUT_PROB = 0.1
BATCH = 16384

# dropout_prob > 0 => cfg embedding row appended
TABLE_ROWS = NUM_CLASSES + 1


def setup_inputs(seed: int = 0) -> dict:
    key = jax.random.key(seed)
    k_lab, k_tab = jax.random.split(key)
    labels = jax.random.randint(k_lab, (BATCH,), 0, NUM_CLASSES, dtype=jnp.int32)
    # learned embedding table (num_classes + 1 rows for CFG null embedding)
    table = jax.random.normal(k_tab, (TABLE_ROWS, HIDDEN_SIZE), dtype=jnp.float32)
    # train=False: deterministic path (no token dropout, no additive noise)
    return {"labels": labels, "train": False, "table": table}


def reference(labels, train, table):
    # labels = labels.long().view(-1)
    labels = labels.reshape(-1)
    # train=False and force_drop_ids=None -> no token_drop
    # embedding lookup (SparseCore gather)
    embeddings = jnp.take(table, labels, axis=0)
    # train=False -> no noise added
    return embeddings

if __name__ == "__main__":
    import jax
    _d = setup_inputs()
    print(jax.jit(kernel)(*tuple(_d.values())))

</pallas_src>

<mosaic_0001>
#map = affine_map<(d0, d1) -> (0, 0)>
#map1 = affine_map<(d0, d1) -> (0)>
module attributes {stable_mosaic.version = 14 : i64} {
  func.func @gather_kernel(%arg0: i32, %arg1: i32, %arg2: memref<1000001x64xf32, #tpu.memory_space<hbm>>, %arg3: memref<16384xi32, #tpu.memory_space<hbm>>, %arg4: memref<16384x64xf32, #tpu.memory_space<hbm>>, %arg5: memref<1024xi32, #tpu.memory_space<vmem>>, %arg6: memref<1024x64xf32, #tpu.memory_space<vmem>>, %arg7: memref<!tpu.dma_semaphore, #tpu.memory_space<semaphore_mem>>) attributes {dimension_semantics = [#tpu.dimension_semantics<core_parallel>, #tpu.dimension_semantics<subcore_parallel>], iteration_bounds = array<i64: 1, 16>, scalar_prefetch = 0 : i64, scratch_operands = 3 : i64, tpu.core_type = #tpu.core_type<sc_vector_subcore>, window_params = [{transform_indices = #map}, {transform_indices = #map1}, {transform_indices = #map}]} {
    %mul3A = arith.constant 1 : i32
    %mul3A_0 = arith.muli %arg1, %mul3A : i32
    %add3A = arith.addi %mul3A_0, %arg0 : i32
    %mul3A_1 = arith.constant 1024 : i32
    %mul3A_2 = arith.muli %add3A, %mul3A_1 : i32
    "tpu.region"() ({
      %run_scoped3A = tpu.sem_alloc : memref<!tpu.dma_semaphore, #tpu.memory_space<semaphore_mem>>
      %dma_start3A_129 = tpu.memref_slice %arg3[%mul3A_2] : memref<16384xi32, #tpu.memory_space<hbm>> -> memref<1024xi32, #tpu.memory_space<hbm>>
      %dma_start3A_130 = tpu.memref_slice %arg3[%mul3A_2] : memref<16384xi32, #tpu.memory_space<hbm>> -> memref<1024xi32, #tpu.memory_space<hbm>>
      tpu.enqueue_dma source(%dma_start3A_130 : memref<1024xi32, #tpu.memory_space<hbm>>) target(%arg5 : memref<1024xi32, #tpu.memory_space<vmem>>) target_semaphore(%run_scoped3A : memref<!tpu.dma_semaphore, #tpu.memory_space<semaphore_mem>>)
      %dma_wait3A_131 = tpu.memref_slice %arg3[%mul3A_2] : memref<16384xi32, #tpu.memory_space<hbm>> -> memref<1024xi32, #tpu.memory_space<hbm>>
      %dma_wait3A_132 = tpu.memref_slice %arg3[%mul3A_2] : memref<16384xi32, #tpu.memory_space<hbm>> -> memref<1024xi32, #tpu.memory_space<hbm>>
      tpu.wait_dma2 semaphore(%run_scoped3A : memref<!tpu.dma_semaphore, #tpu.memory_space<semaphore_mem>>) src(%dma_wait3A_132 : memref<1024xi32, #tpu.memory_space<hbm>>) dst(%arg5 : memref<1024xi32, #tpu.memory_space<vmem>>)
      tpu.yield
    }) : () -> ()
    %dma_start3A = arith.constant 0 : i32
    %dma_start3A_3 = arith.constant 0 : i32
    %dma_start3A_4 = tpu.memref_slice %arg6[%dma_start3A, %dma_start3A_3] : memref<1024x64xf32, #tpu.memory_space<vmem>> -> memref<128x64xf32, #tpu.memory_space<vmem>>
    %dma_start3A_5 = arith.constant 0 : i32
    %dma_start3A_6 = tpu.memref_slice %arg5[%dma_start3A_5] : memref<1024xi32, #tpu.memory_space<vmem>> -> memref<128xi32, #tpu.memory_space<vmem>>
    %dma_start3A_7 = arith.constant 0 : i32
    %dma_start3A_8 = arith.constant 0 : i32
    %dma_start3A_9 = tpu.memref_slice %arg2[%dma_start3A_7, %dma_start3A_8] : memref<1000001x64xf32, #tpu.memory_space<hbm>> -> memref<1000001x64xf32, #tpu.memory_space<hbm>>
    tpu.enqueue_indirect_dma source(%dma_start3A_9 : memref<1000001x64xf32, #tpu.memory_space<hbm>>) target(%dma_start3A_4 : memref<128x64xf32, #tpu.memory_space<vmem>>) offsets(%dma_start3A_6 : memref<128xi32, #tpu.memory_space<vmem>>) semaphore(%arg7 : memref<!tpu.dma_semaphore, #tpu.memory_space<semaphore_mem>>)
    %dma_start3A_10 = arith.constant 128 : i32
    %dma_start3A_11 = arith.constant 0 : i32
    %dma_start3A_12 = tpu.memref_slice %arg6[%dma_start3A_10, %dma_start3A_11] : memref<1024x64xf32, #tpu.memory_space<vmem>> -> memref<128x64xf32, #tpu.memory_space<vmem>>
    %dma_start3A_13 = arith.constant 128 : i32
    %dma_start3A_14 = tpu.memref_slice %arg5[%dma_start3A_13] : memref<1024xi32, #tpu.memory_space<vmem>> -> memref<128xi32, #tpu.memory_space<vmem>>
    %dma_start3A_15 = arith.constant 0 : i32
    %dma_start3A_16 = arith.constant 0 : i32
    %dma_start3A_17 = tpu.memref_slice %arg2[%dma_start3A_15, %dma_start3A_16] : memref<1000001x64xf32, #tpu.memory_space<hbm>> -> memref<1000001x64xf32, #tpu.memory_space<hbm>>
    tpu.enqueue_indirect_dma source(%dma_start3A_17 : memref<1000001x64xf32, #tpu.memory_space<hbm>>) target(%dma_start3A_12 : memref<128x64xf32, #tpu.memory_space<vmem>>) offsets(%dma_start3A_14 : memref<128xi32, #tpu.memory_space<vmem>>) semaphore(%arg7 : memref<!tpu.dma_semaphore, #tpu.memory_space<semaphore_mem>>)
    %dma_start3A_18 = arith.constant 256 : i32
    %dma_start3A_19 = arith.constant 0 : i32
    %dma_start3A_20 = tpu.memref_slice %arg6[%dma_start3A_18, %dma_start3A_19] : memref<1024x64xf32, #tpu.memory_space<vmem>> -> memref<128x64xf32, #tpu.memory_space<vmem>>
    %dma_start3A_21 = arith.constant 256 : i32
    %dma_start3A_22 = tpu.memref_slice %arg5[%dma_start3A_21] : memref<1024xi32, #tpu.memory_space<vmem>> -> memref<128xi32, #tpu.memory_space<vmem>>
    %dma_start3A_23 = arith.constant 0 : i32
    %dma_start3A_24 = arith.constant 0 : i32
    %dma_start3A_25 = tpu.memref_slice %arg2[%dma_start3A_23, %dma_start3A_24] : memref<1000001x64xf32, #tpu.memory_space<hbm>> -> memref<1000001x64xf32, #tpu.memory_space<hbm>>
    tpu.enqueue_indirect_dma source(%dma_start3A_25 : memref<1000001x64xf32, #tpu.memory_space<hbm>>) target(%dma_start3A_20 : memref<128x64xf32, #tpu.memory_space<vmem>>) offsets(%dma_start3A_22 : memref<128xi32, #tpu.memory_space<vmem>>) semaphore(%arg7 : memref<!tpu.dma_semaphore, #tpu.memory_space<semaphore_mem>>)
    %dma_start3A_26 = arith.constant 384 : i32
    %dma_start3A_27 = arith.constant 0 : i32
    %dma_start3A_28 = tpu.memref_slice %arg6[%dma_start3A_26, %dma_start3A_27] : memref<1024x64xf32, #tpu.memory_space<vmem>> -> memref<128x64xf32, #tpu.memory_space<vmem>>
    %dma_start3A_29 = arith.constant 384 : i32
    %dma_start3A_30 = tpu.memref_slice %arg5[%dma_start3A_29] : memref<1024xi32, #tpu.memory_space<vmem>> -> memref<128xi32, #tpu.memory_space<vmem>>
    %dma_start3A_31 = arith.constant 0 : i32
    %dma_start3A_32 = arith.constant 0 : i32
    %dma_start3A_33 = tpu.memref_slice %arg2[%dma_start3A_31, %dma_start3A_32] : memref<1000001x64xf32, #tpu.memory_space<hbm>> -> memref<1000001x64xf32, #tpu.memory_space<hbm>>
    tpu.enqueue_indirect_dma source(%dma_start3A_33 : memref<1000001x64xf32, #tpu.memory_space<hbm>>) target(%dma_start3A_28 : memref<128x64xf32, #tpu.memory_space<vmem>>) offsets(%dma_start3A_30 : memref<128xi32, #tpu.memory_space<vmem>>) semaphore(%arg7 : memref<!tpu.dma_semaphore, #tpu.memory_space<semaphore_mem>>)
    %dma_start3A_34 = arith.constant 512 : i32
    %dma_start3A_35 = arith.constant 0 : i32
    %dma_start3A_36 = tpu.memref_slice %arg6[%dma_start3A_34, %dma_start3A_35] : memref<1024x64xf32, #tpu.memory_space<vmem>> -> memref<128x64xf32, #tpu.memory_space<vmem>>
    %dma_start3A_37 = arith.constant 512 : i32
    %dma_start3A_38 = tpu.memref_slice %arg5[%dma_start3A_37] : memref<1024xi32, #tpu.memory_space<vmem>> -> memref<128xi32, #tpu.memory_space<vmem>>
    %dma_start3A_39 = arith.constant 0 : i32
    %dma_start3A_40 = arith.constant 0 : i32
    %dma_start3A_41 = tpu.memref_slice %arg2[%dma_start3A_39, %dma_start3A_40] : memref<1000001x64xf32, #tpu.memory_space<hbm>> -> memref<1000001x64xf32, #tpu.memory_space<hbm>>
    tpu.enqueue_indirect_dma source(%dma_start3A_41 : memref<1000001x64xf32, #tpu.memory_space<hbm>>) target(%dma_start3A_36 : memref<128x64xf32, #tpu.memory_space<vmem>>) offsets(%dma_start3A_38 : memref<128xi32, #tpu.memory_space<vmem>>) semaphore(%arg7 : memref<!tpu.dma_semaphore, #tpu.memory_space<semaphore_mem>>)
    %dma_start3A_42 = arith.constant 640 : i32
    %dma_start3A_43 = arith.constant 0 : i32
    %dma_start3A_44 = tpu.memref_slice %arg6[%dma_start3A_42, %dma_start3A_43] : memref<1024x64xf32, #tpu.memory_space<vmem>> -> memref<128x64xf32, #tpu.memory_space<vmem>>
    %dma_start3A_45 = arith.constant 640 : i32
    %dma_start3A_46 = tpu.memref_slice %arg5[%dma_start3A_45] : memref<1024xi32, #tpu.memory_space<vmem>> -> memref<128xi32, #tpu.memory_space<vmem>>
    %dma_start3A_47 = arith.constant 0 : i32
    %dma_start3A_48 = arith.constant 0 : i32
    %dma_start3A_49 = tpu.memref_slice %arg2[%dma_start3A_47, %dma_start3A_48] : memref<1000001x64xf32, #tpu.memory_space<hbm>> -> memref<1000001x64xf32, #tpu.memory_space<hbm>>
    tpu.enqueue_indirect_dma source(%dma_start3A_49 : memref<1000001x64xf32, #tpu.memory_space<hbm>>) target(%dma_start3A_44 : memref<128x64xf32, #tpu.memory_space<vmem>>) offsets(%dma_start3A_46 : memref<128xi32, #tpu.memory_space<vmem>>) semaphore(%arg7 : memref<!tpu.dma_semaphore, #tpu.memory_space<semaphore_mem>>)
    %dma_start3A_50 = arith.constant 768 : i32
    %dma_start3A_51 = arith.constant 0 : i32
    %dma_start3A_52 = tpu.memref_slice %arg6[%dma_start3A_50, %dma_start3A_51] : memref<1024x64xf32, #tpu.memory_space<vmem>> -> memref<128x64xf32, #tpu.memory_space<vmem>>
    %dma_start3A_53 = arith.constant 768 : i32
    %dma_start3A_54 = tpu.memref_slice %arg5[%dma_start3A_53] : memref<1024xi32, #tpu.memory_space<vmem>> -> memref<128xi32, #tpu.memory_space<vmem>>
    %dma_start3A_55 = arith.constant 0 : i32
    %dma_start3A_56 = arith.constant 0 : i32
    %dma_start3A_57 = tpu.memref_slice %arg2[%dma_start3A_55, %dma_start3A_56] : memref<1000001x64xf32, #tpu.memory_space<hbm>> -> memref<1000001x64xf32, #tpu.memory_space<hbm>>
    tpu.enqueue_indirect_dma source(%dma_start3A_57 : memref<1000001x64xf32, #tpu.memory_space<hbm>>) target(%dma_start3A_52 : memref<128x64xf32, #tpu.memory_space<vmem>>) offsets(%dma_start3A_54 : memref<128xi32, #tpu.memory_space<vmem>>) semaphore(%arg7 : memref<!tpu.dma_semaphore, #tpu.memory_space<semaphore_mem>>)
    %dma_start3A_58 = arith.constant 896 : i32
    %dma_start3A_59 = arith.constant 0 : i32
    %dma_start3A_60 = tpu.memref_slice %arg6[%dma_start3A_58, %dma_start3A_59] : memref<1024x64xf32, #tpu.memory_space<vmem>> -> memref<128x64xf32, #tpu.memory_space<vmem>>
    %dma_start3A_61 = arith.constant 896 : i32
    %dma_start3A_62 = tpu.memref_slice %arg5[%dma_start3A_61] : memref<1024xi32, #tpu.memory_space<vmem>> -> memref<128xi32, #tpu.memory_space<vmem>>
    %dma_start3A_63 = arith.constant 0 : i32
    %dma_start3A_64 = arith.constant 0 : i32
    %dma_start3A_65 = tpu.memref_slice %arg2[%dma_start3A_63, %dma_start3A_64] : memref<1000001x64xf32, #tpu.memory_space<hbm>> -> memref<1000001x64xf32, #tpu.memory_space<hbm>>
    tpu.enqueue_indirect_dma source(%dma_start3A_65 : memref<1000001x64xf32, #tpu.memory_space<hbm>>) target(%dma_start3A_60 : memref<128x64xf32, #tpu.memory_space<vmem>>) offsets(%dma_start3A_62 : memref<128xi32, #tpu.memory_space<vmem>>) semaphore(%arg7 : memref<!tpu.dma_semaphore, #tpu.memory_space<semaphore_mem>>)
    %dma_wait3A = arith.constant 0 : i32
    %dma_wait3A_66 = arith.constant 0 : i32
    %dma_wait3A_67 = tpu.memref_slice %arg6[%dma_wait3A, %dma_wait3A_66] : memref<1024x64xf32, #tpu.memory_space<vmem>> -> memref<128x64xf32, #tpu.memory_space<vmem>>
    %dma_wait3A_68 = arith.constant 0 : i32
    %dma_wait3A_69 = tpu.memref_slice %arg5[%dma_wait3A_68] : memref<1024xi32, #tpu.memory_space<vmem>> -> memref<128xi32, #tpu.memory_space<vmem>>
    %dma_wait3A_70 = arith.constant 0 : i32
    %dma_wait3A_71 = arith.constant 0 : i32
    %dma_wait3A_72 = tpu.memref_slice %arg2[%dma_wait3A_70, %dma_wait3A_71] : memref<1000001x64xf32, #tpu.memory_space<hbm>> -> memref<1000001x64xf32, #tpu.memory_space<hbm>>
    tpu.wait_indirect_dma semaphore(%arg7 : memref<!tpu.dma_semaphore, #tpu.memory_space<semaphore_mem>>) src(%dma_wait3A_72 : memref<1000001x64xf32, #tpu.memory_space<hbm>>) dst(%dma_wait3A_67 : memref<128x64xf32, #tpu.memory_space<vmem>>)
    %dma_wait3A_73 = arith.constant 128 : i32
    %dma_wait3A_74 = arith.constant 0 : i32
    %dma_wait3A_75 = tpu.memref_slice %arg6[%dma_wait3A_73, %dma_wait3A_74] : memref<1024x64xf32, #tpu.memory_space<vmem>> -> memref<128x64xf32, #tpu.memory_space<vmem>>
    %dma_wait3A_76 = arith.constant 128 : i32
    %dma_wait3A_77 = tpu.memref_slice %arg5[%dma_wait3A_76] : memref<1024xi32, #tpu.memory_space<vmem>> -> memref<128xi32, #tpu.memory_space<vmem>>
    %dma_wait3A_78 = arith.constant 0 : i32
    %dma_wait3A_79 = arith.constant 0 : i32
    %dma_wait3A_80 = tpu.memref_slice %arg2[%dma_wait3A_78, %dma_wait3A_79] : memref<1000001x64xf32, #tpu.memory_space<hbm>> -> memref<1000001x64xf32, #tpu.memory_space<hbm>>
    tpu.wait_indirect_dma semaphore(%arg7 : memref<!tpu.dma_semaphore, #tpu.memory_space<semaphore_mem>>) src(%dma_wait3A_80 : memref<1000001x64xf32, #tpu.memory_space<hbm>>) dst(%dma_wait3A_75 : memref<128x64xf32, #tpu.memory_space<vmem>>)
    %dma_wait3A_81 = arith.constant 256 : i32
    %dma_wait3A_82 = arith.constant 0 : i32
    %dma_wait3A_83 = tpu.memref_slice %arg6[%dma_wait3A_81, %dma_wait3A_82] : memref<1024x64xf32, #tpu.memory_space<vmem>> -> memref<128x64xf32, #tpu.memory_space<vmem>>
    %dma_wait3A_84 = arith.constant 256 : i32
    %dma_wait3A_85 = tpu.memref_slice %arg5[%dma_wait3A_84] : memref<1024xi32, #tpu.memory_space<vmem>> -> memref<128xi32, #tpu.memory_space<vmem>>
    %dma_wait3A_86 = arith.constant 0 : i32
    %dma_wait3A_87 = arith.constant 0 : i32
    %dma_wait3A_88 = tpu.memref_slice %arg2[%dma_wait3A_86, %dma_wait3A_87] : memref<1000001x64xf32, #tpu.memory_space<hbm>> -> memref<1000001x64xf32, #tpu.memory_space<hbm>>
    tpu.wait_indirect_dma semaphore(%arg7 : memref<!tpu.dma_semaphore, #tpu.memory_space<semaphore_mem>>) src(%dma_wait3A_88 : memref<1000001x64xf32, #tpu.memory_space<hbm>>) dst(%dma_wait3A_83 : memref<128x64xf32, #tpu.memory_space<vmem>>)
    %dma_wait3A_89 = arith.constant 384 : i32
    %dma_wait3A_90 = arith.constant 0 : i32
    %dma_wait3A_91 = tpu.memref_slice %arg6[%dma_wait3A_89, %dma_wait3A_90] : memref<1024x64xf32, #tpu.memory_space<vmem>> -> memref<128x64xf32, #tpu.memory_space<vmem>>
    %dma_wait3A_92 = arith.constant 384 : i32
    %dma_wait3A_93 = tpu.memref_slice %arg5[%dma_wait3A_92] : memref<1024xi32, #tpu.memory_space<vmem>> -> memref<128xi32, #tpu.memory_space<vmem>>
    %dma_wait3A_94 = arith.constant 0 : i32
    %dma_wait3A_95 = arith.constant 0 : i32
    %dma_wait3A_96 = tpu.memref_slice %arg2[%dma_wait3A_94, %dma_wait3A_95] : memref<1000001x64xf32, #tpu.memory_space<hbm>> -> memref<1000001x64xf32, #tpu.memory_space<hbm>>
    tpu.wait_indirect_dma semaphore(%arg7 : memref<!tpu.dma_semaphore, #tpu.memory_space<semaphore_mem>>) src(%dma_wait3A_96 : memref<1000001x64xf32, #tpu.memory_space<hbm>>) dst(%dma_wait3A_91 : memref<128x64xf32, #tpu.memory_space<vmem>>)
    %dma_wait3A_97 = arith.constant 512 : i32
    %dma_wait3A_98 = arith.constant 0 : i32
    %dma_wait3A_99 = tpu.memref_slice %arg6[%dma_wait3A_97, %dma_wait3A_98] : memref<1024x64xf32, #tpu.memory_space<vmem>> -> memref<128x64xf32, #tpu.memory_space<vmem>>
    %dma_wait3A_100 = arith.constant 512 : i32
    %dma_wait3A_101 = tpu.memref_slice %arg5[%dma_wait3A_100] : memref<1024xi32, #tpu.memory_space<vmem>> -> memref<128xi32, #tpu.memory_space<vmem>>
    %dma_wait3A_102 = arith.constant 0 : i32
    %dma_wait3A_103 = arith.constant 0 : i32
    %dma_wait3A_104 = tpu.memref_slice %arg2[%dma_wait3A_102, %dma_wait3A_103] : memref<1000001x64xf32, #tpu.memory_space<hbm>> -> memref<1000001x64xf32, #tpu.memory_space<hbm>>
    tpu.wait_indirect_dma semaphore(%arg7 : memref<!tpu.dma_semaphore, #tpu.memory_space<semaphore_mem>>) src(%dma_wait3A_104 : memref<1000001x64xf32, #tpu.memory_space<hbm>>) dst(%dma_wait3A_99 : memref<128x64xf32, #tpu.memory_space<vmem>>)
    %dma_wait3A_105 = arith.constant 640 : i32
    %dma_wait3A_106 = arith.constant 0 : i32
    %dma_wait3A_107 = tpu.memref_slice %arg6[%dma_wait3A_105, %dma_wait3A_106] : memref<1024x64xf32, #tpu.memory_space<vmem>> -> memref<128x64xf32, #tpu.memory_space<vmem>>
    %dma_wait3A_108 = arith.constant 640 : i32
    %dma_wait3A_109 = tpu.memref_slice %arg5[%dma_wait3A_108] : memref<1024xi32, #tpu.memory_space<vmem>> -> memref<128xi32, #tpu.memory_space<vmem>>
    %dma_wait3A_110 = arith.constant 0 : i32
    %dma_wait3A_111 = arith.constant 0 : i32
    %dma_wait3A_112 = tpu.memref_slice %arg2[%dma_wait3A_110, %dma_wait3A_111] : memref<1000001x64xf32, #tpu.memory_space<hbm>> -> memref<1000001x64xf32, #tpu.memory_space<hbm>>
    tpu.wait_indirect_dma semaphore(%arg7 : memref<!tpu.dma_semaphore, #tpu.memory_space<semaphore_mem>>) src(%dma_wait3A_112 : memref<1000001x64xf32, #tpu.memory_space<hbm>>) dst(%dma_wait3A_107 : memref<128x64xf32, #tpu.memory_space<vmem>>)
    %dma_wait3A_113 = arith.constant 768 : i32
    %dma_wait3A_114 = arith.constant 0 : i32
    %dma_wait3A_115 = tpu.memref_slice %arg6[%dma_wait3A_113, %dma_wait3A_114] : memref<1024x64xf32, #tpu.memory_space<vmem>> -> memref<128x64xf32, #tpu.memory_space<vmem>>
    %dma_wait3A_116 = arith.constant 768 : i32
    %dma_wait3A_117 = tpu.memref_slice %arg5[%dma_wait3A_116] : memref<1024xi32, #tpu.memory_space<vmem>> -> memref<128xi32, #tpu.memory_space<vmem>>
    %dma_wait3A_118 = arith.constant 0 : i32
    %dma_wait3A_119 = arith.constant 0 : i32
    %dma_wait3A_120 = tpu.memref_slice %arg2[%dma_wait3A_118, %dma_wait3A_119] : memref<1000001x64xf32, #tpu.memory_space<hbm>> -> memref<1000001x64xf32, #tpu.memory_space<hbm>>
    tpu.wait_indirect_dma semaphore(%arg7 : memref<!tpu.dma_semaphore, #tpu.memory_space<semaphore_mem>>) src(%dma_wait3A_120 : memref<1000001x64xf32, #tpu.memory_space<hbm>>) dst(%dma_wait3A_115 : memref<128x64xf32, #tpu.memory_space<vmem>>)
    %dma_wait3A_121 = arith.constant 896 : i32
    %dma_wait3A_122 = arith.constant 0 : i32
    %dma_wait3A_123 = tpu.memref_slice %arg6[%dma_wait3A_121, %dma_wait3A_122] : memref<1024x64xf32, #tpu.memory_space<vmem>> -> memref<128x64xf32, #tpu.memory_space<vmem>>
    %dma_wait3A_124 = arith.constant 896 : i32
    %dma_wait3A_125 = tpu.memref_slice %arg5[%dma_wait3A_124] : memref<1024xi32, #tpu.memory_space<vmem>> -> memref<128xi32, #tpu.memory_space<vmem>>
    %dma_wait3A_126 = arith.constant 0 : i32
    %dma_wait3A_127 = arith.constant 0 : i32
    %dma_wait3A_128 = tpu.memref_slice %arg2[%dma_wait3A_126, %dma_wait3A_127] : memref<1000001x64xf32, #tpu.memory_space<hbm>> -> memref<1000001x64xf32, #tpu.memory_space<hbm>>
    tpu.wait_indirect_dma semaphore(%arg7 : memref<!tpu.dma_semaphore, #tpu.memory_space<semaphore_mem>>) src(%dma_wait3A_128 : memref<1000001x64xf32, #tpu.memory_space<hbm>>) dst(%dma_wait3A_123 : memref<128x64xf32, #tpu.memory_space<vmem>>)
    "tpu.region"() ({
      %run_scoped3A = tpu.sem_alloc : memref<!tpu.dma_semaphore, #tpu.memory_space<semaphore_mem>>
      %dma_start3A_129 = arith.constant 0 : i32
      %dma_start3A_130 = tpu.memref_slice %arg4[%mul3A_2, %dma_start3A_129] : memref<16384x64xf32, #tpu.memory_space<hbm>> -> memref<1024x64xf32, #tpu.memory_space<hbm>>
      %dma_start3A_131 = arith.constant 0 : i32
      %dma_start3A_132 = tpu.memref_slice %arg4[%mul3A_2, %dma_start3A_131] : memref<16384x64xf32, #tpu.memory_space<hbm>> -> memref<1024x64xf32, #tpu.memory_space<hbm>>
      tpu.enqueue_dma source(%arg6 : memref<1024x64xf32, #tpu.memory_space<vmem>>) target(%dma_start3A_132 : memref<1024x64xf32, #tpu.memory_space<hbm>>) target_semaphore(%run_scoped3A : memref<!tpu.dma_semaphore, #tpu.memory_space<semaphore_mem>>)
      %dma_wait3A_133 = arith.constant 0 : i32
      %dma_wait3A_134 = tpu.memref_slice %arg4[%mul3A_2, %dma_wait3A_133] : memref<16384x64xf32, #tpu.memory_space<hbm>> -> memref<1024x64xf32, #tpu.memory_space<hbm>>
      %dma_wait3A_135 = arith.constant 0 : i32
      %dma_wait3A_136 = tpu.memref_slice %arg4[%mul3A_2, %dma_wait3A_135] : memref<16384x64xf32, #tpu.memory_space<hbm>> -> memref<1024x64xf32, #tpu.memory_space<hbm>>
      tpu.wait_dma2 semaphore(%run_scoped3A : memref<!tpu.dma_semaphore, #tpu.memory_space<semaphore_mem>>) src(%arg6 : memref<1024x64xf32, #tpu.memory_space<vmem>>) dst(%dma_wait3A_136 : memref<1024x64xf32, #tpu.memory_space<hbm>>)
      tpu.yield
    }) : () -> ()
    return
  }
}

</mosaic_0001>

<sc_bundles>
// kernel: kernel.3.cloned.1.call-start
scs
__scs_entry_jumppad:
0x0: {  	(pc) =	sbr.rel $0x88, $3  }
0x1: {  	(tag) =	ssettag $0x0;
	lr =	simm.s32 $0x1  }
0x2: {  	[smem:$0x3F9F] =	sst lr;
	_ =	strace $0xD0000000  }
0x3: {  	_ = 	snop  }
0x4: {  	_ = 	snop  }
0x5: {  	_ = 	snop  }
0x6: {  	_ = 	snop  }
0x7: {  	_ = 	snop  }
__scs_overlays_trampoline_lowered:
0x8: {  	[smem:$0x3FAE] =	sst s0  }
0x9: {  	[smem:$0x3FAF] =	sst s1  }
0xa: {  	[smem:$0x3FB0] =	sst s2  }
0xb: {  	[smem:$0x3FB1] =	sst s3  }
0xc: {  	[smem:$0x3FB2] =	sst s4  }
0xd: {  	[smem:$0x3FB3] =	sst s5  }
0xe: {  	[smem:$0x3FB4] =	sst s6  }
0xf: {  	[smem:$0x3FB5] =	sst s7  }
0x10: {  	[smem:$0x3FB6] =	sst s8  }
0x11: {  	[smem:$0x3FB7] =	sst s9;
	s0 =	simm.s32 @!p0 $0x0  }
0x12: {  	s1 =	sld [smem:$0x3F9D];
	s0 =	simm.s32 @p0 $0x1  }
0x13: {  	[smem:$0x3FB8] =	sst s0;
	s0 =	simm.s32 @!p1 $0x0  }
0x14: {  	s2 =	sld [smem:$0x3F9C];
	s0 =	simm.s32 @p1 $0x1  }
0x15: {  	[smem:$0x3FB9] =	sst s0;
	s0 =	simm.s32 @!p2 $0x0  }
0x16: {  	s3 =	sld [smem:$0x3FDB];
	s0 =	simm.s32 @p2 $0x1  }
0x17: {  	s4 =	simm.s32 $0x1BF5;
	[smem:$0x3FBB] =	sst s0  }
0x18: {  	s0 =	sld [smem:$0x3F9E];
	_ =	swait.ge [sflag:s4], $0x0  }
0x19: {  	s7 =	sld [smem:$0x3F9F]  }
0x1a: {  	s8 =	sadd.s32 $0xFFFFE003, lr  }
0x1b: {  	s9 =	sadd.s32 $0xFFFFFEF7, lr;
	s5 =	simm.s32 $0xFFFFFFFF;
	p2 =	slt.u32 s8, $0xFFFFF086  }
0x1c: {  	p1 =	slt.u32 s9, $0xF7A;
	s5 =	simm.s32 @!p2 $0x0  }
0x1d: {  	s5 =	simm.s32 @p1 $0x1;
	p0 =	seq.s32 s7, s2  }
0x1e: {  	s7 =	smul.u32 @!p0 $0xF7A, s2;
	p2 =	seq.s32 @!p0 s5, $0x0  }
0x1f: {  	s9 =	smul.u32 $0xF7A, s1;
	s8 =	simm.s32 @!p0 $0x1BF5;
	p2 =	por !p2, p0  }
0x20: {  	[sflag:s8] =	ssyncset.s32 @!p0 $0xFFFFF086;
	s6 =	sadd.s32 @!p0 s3, s7;
	s7 =	simm.s32 @!p0 $0x108  }
0x21: {  	s3 =	sadd.s32 s3, s9;
	s6 =	sadd.s32 @!p0 $0x88, s6;
	s7 =	simm.s32 @p2 $0x1082  }
0x22: {  	[simem:s7], [sflag:s8] =	dma.local @!p0 [hbm:s6], $0xF7A  }
0x23: {  	s9 =	sor.u32 $0xD0000000, s2;
	s6 =	simm.s32 $0x108;
	_ =	swait.ge @!p0 [sflag:s8], $0x0  }
0x24: {  	s3 =	sadd.s32 $0x88, s3;
	s6 =	simm.s32 @!p1 $0x1082;
	[sflag:s4] =	ssyncset.s32 $0xFFFFF086  }
0x25: {  	[simem:s6], [sflag:s4] =	dma.local [hbm:s3], $0xF7A  }
0x26: {  	[smem:$0x3F9F] =	sst s1;
	(tag) =	ssettag s2;
	_ =	strace s9  }
0x27: {  	s1 =	sld [smem:$0x3FAF]  }
0x28: {  	s2 =	sld [smem:$0x3FB0]  }
0x29: {  	s4 =	sld [smem:$0x3FB2]  }
0x2a: {  	p0 =	seq.s32 s5, $0x0;
	s5 =	sld [smem:$0x3FB3]  }
0x2b: {  	s6 =	sld [smem:$0x3FB4]  }
0x2c: {  	s7 =	sld [smem:$0x3FB5]  }
0x2d: {  	s3 =	simm.s32 $0x108;
	s8 =	sld [smem:$0x3FB6]  }
0x2e: {  	s3 =	simm.s32 @!p0 $0x1082;
	s9 =	sld [smem:$0x3FB7]  }
0x2f: {  	lr =	sadd.s32 s0, s3;
	s0 =	sld [smem:$0x3FAE]  }
0x30: {  	s3 =	sld [smem:$0x3FB1]  }
0x31: {  	[smem:$0x3FBA] =	sst s10  }
0x32: {  	s10 =	sld [smem:$0x3FB8];
	_ =	sdelay $0x3  }
0x33: {  	p0 =	seq.s32 s10, $0x1;
	s10 =	sld [smem:$0x3FBA];
	_ =	sdelay $0x3  }
0x34: {  	[smem:$0x3FBA] =	sst s10  }
0x35: {  	s10 =	sld [smem:$0x3FB9];
	_ =	sdelay $0x3  }
0x36: {  	p1 =	seq.s32 s10, $0x1;
	s10 =	sld [smem:$0x3FBA];
	_ =	sdelay $0x3  }
0x37: {  	[smem:$0x3FBA] =	sst s10  }
0x38: {  	s10 =	sld [smem:$0x3FBB]  }
0x39: {  	_ = 	snop;
	(pc) =	sbr.ind lr, $3  }
0x3a: {  	_ = 	snop  }
0x3b: {  	_ = 	snop  }
0x3c: {  	p2 =	seq.s32 s10, $0x1;
	s10 =	sld [smem:$0x3FBA]  }
0x3d: {  	_ =	shalt  }
0x3e: {  	_ =	shalt  }
0x3f: {  	_ =	shalt  }
0x40: {  	_ =	shalt  }
0x41: {  	_ =	shalt  }
0x42: {  	_ =	shalt  }
0x43: {  	_ =	shalt  }
0x44: {  	_ =	shalt  }
0x45: {  	_ =	shalt  }
0x46: {  	_ =	shalt  }
0x47: {  	_ =	shalt  }
0x48: {  	_ =	shalt  }
0x49: {  	_ =	shalt  }
0x4a: {  	_ =	shalt  }
0x4b: {  	_ =	shalt  }
0x4c: {  	_ =	shalt  }
0x4d: {  	_ =	shalt  }
0x4e: {  	_ =	shalt  }
0x4f: {  	_ =	shalt  }
0x50: {  	_ =	shalt  }
0x51: {  	_ =	shalt  }
0x52: {  	_ =	shalt  }
0x53: {  	_ =	shalt  }
0x54: {  	_ =	shalt  }
0x55: {  	_ =	shalt  }
0x56: {  	_ =	shalt  }
0x57: {  	_ =	shalt  }
0x58: {  	_ =	shalt  }
0x59: {  	_ =	shalt  }
0x5a: {  	_ =	shalt  }
0x5b: {  	_ =	shalt  }
0x5c: {  	_ =	shalt  }
0x5d: {  	_ =	shalt  }
0x5e: {  	_ =	shalt  }
0x5f: {  	_ =	shalt  }
0x60: {  	_ =	shalt  }
0x61: {  	_ =	shalt  }
0x62: {  	_ =	shalt  }
0x63: {  	_ =	shalt  }
0x64: {  	_ =	shalt  }
0x65: {  	_ =	shalt  }
0x66: {  	_ =	shalt  }
0x67: {  	_ =	shalt  }
0x68: {  	_ =	shalt  }
0x69: {  	_ =	shalt  }
0x6a: {  	_ =	shalt  }
0x6b: {  	_ =	shalt  }
0x6c: {  	_ =	shalt  }
0x6d: {  	_ =	shalt  }
0x6e: {  	_ =	shalt  }
0x6f: {  	_ =	shalt  }
0x70: {  	_ =	shalt  }
0x71: {  	_ =	shalt  }
0x72: {  	_ =	shalt  }
0x73: {  	_ =	shalt  }
0x74: {  	_ =	shalt  }
0x75: {  	_ =	shalt  }
0x76: {  	_ =	shalt  }
0x77: {  	_ =	shalt  }
0x78: {  	_ =	shalt  }
0x79: {  	_ =	shalt  }
0x7a: {  	_ =	shalt  }
0x7b: {  	_ =	shalt  }
0x7c: {  	_ =	shalt  }
0x7d: {  	_ =	shalt  }
0x7e: {  	_ =	shalt  }
0x7f: {  	_ =	shalt  }
0x80: {  	_ =	shalt  }
0x81: {  	_ =	shalt  }
0x82: {  	_ =	shalt  }
0x83: {  	_ =	shalt  }
0x84: {  	_ =	shalt  }
0x85: {  	_ =	shalt  }
0x86: {  	_ =	shalt  }
0x87: {  	_ =	shalt  }
.Lfunc_end0:
.L_simem_size_0:
called_computation_lowered:
.L_overlay_start_0:
0x88: {  	s0 =	sld [smem:$0x3FD9]  }
0x89: {  	s1 =	sld [smem:$0x3FFE];
	_ =	sdelay $0x3  }
0x8a: {  	s0 =	sadd.s32 s1, s0  }
0x8b: {  	[smem:$0x3FC6] =	sst s0  }
0x8c: {  	_ = 	snop  }
0x8d: {  	s0 =	sld [smem:$0x3FC9]  }
0x8e: {  	s16 =	sld [smem:$0x3FD0];
	(tm) =	ssettm $0x1  }
0x8f: {  	s2 =	sld [smem:$0x3FFB];
	_ =	sdelay $0x3  }
0x90: {  	_ =	strace s2  }
0x91: {  	s2 =	sld [smem:$0x3FFC];
	_ =	sdelay $0x3  }
0x92: {  	_ =	strace s2  }
0x93: {  	s2 =	sld [smem:$0x3FFD];
	_ =	sdelay $0x3  }
0x94: {  	_ =	strace s2  }
0x95: {  	_ =	strace $0x8FFFFFFF  }
0x96: {  	s17 =	sld [smem:$0x3FDB];
	_ =	sdelay $0x1  }
0x97: {  	s3 =	simm.s32 $_scs_section_size  }
0x98: {  	s4 =	simm.s32 $_size__tile_overlayer_lowered;
	s5 =	simm.s32 $_tile_overlayer_lowered  }
0x99: {  	s20 =	simm.s32 $0x1BFF;
	s19 =	sshll.u32 s5, $0x1;
	s2 =	sadd.s32 s3, s17  }
0x9a: {  	s6 =	simm.s32 $0x0;
	s18 =	sshll.u32 s4, $0x1;
	s4 =	sadd.s32 s19, s2  }
0x9b: {  	[timem:s6], [sflag:s20] =	dma.local [hbm:s4], s18  }
0x9c: {  	_ =	swait.ge [sflag:s20], s18  }
0x9d: {  	s3 =	ssub.s32 $0x0, s18;
	[sflag:s20] =	ssyncset.done $0x0  }
0x9e: {  	[sflag:s20] =	ssyncadd.s32 s3;
	_ =	sdelay $0x1  }
0x9f: {  	s21 =	simm.s32 $0x1B8B  }
0xa0: {  	_ =	swait.ge [sflag:s21], $0x1  }
0xa1: {  	[sflag:s21] =	ssyncset.done $0x0  }
0xa2: {  	s23 =	simm.s32 $0x1B8E;
	s22 =	sld [smem:$0x3FFE];
	[sflag:s21] =	ssyncadd.s32 $0xFFFFFFFF  }
0xa3: {  	s24 =	simm.s32 $execute0_lowered;
	[smem:$0x3FD2] =	sst s23  }
0xa4: {  	s4 =	sshll.u32 s24, $0x1;
	_ =	strace $0x80000046;
	[dreg:$0x1] =	wrdreg $0xFFFFFFFF  }
0xa5: {  	s25 =	simm.s32 $_size_execute0_lowered;
	s2 =	sadd.s32 s2, s4;
	[dreg:$0x0] =	wrdreg $0x0  }
0xa6: {  	s4 =	sshll.u32 s25, $0x1;
	[dreg:$0x2] =	wrdreg s2  }
0xa7: {  	[dreg:$0x3] =	wrdreg s4  }
0xa8: {  	[dreg:$0x4] =	wrdreg $0xC0  }
0xa9: {  	_ =	task [dreg:s6], $0x5FFFF  }
0xaa: {  	[dreg:$0x1] =	wrdreg $0xFFFFFFFF  }
0xab: {  	[dreg:$0x0] =	wrdreg $0x60  }
0xac: {  	[dreg:$0x2] =	wrdreg s22  }
0xad: {  	[dreg:$0x3] =	wrdreg s0  }
0xae: {  	[dreg:$0x4] =	wrdreg s16  }
0xaf: {  	[dreg:$0x5] =	wrdreg $0x9  }
0xb0: {  	_ =	task.clear_ibuf [dreg:s6], $0x6FFFF;
	_ =	strace $0x90000046  }
0xb1: {  	s26 =	simm.s32 $0x9;
	_ =	strace $0x80000048  }
0xb2: {  	_ =	swait.ge [sflag:s26], $0x1  }
0xb3: {  	[sflag:s26] =	ssyncadd.s32 $0xFFFFFFFF  }
0xb4: {  	_ =	strace $0x90000048  }
0xb5: {  	_ =	sfence  }
0xb6: {  	s28 =	sld [smem:$0x0];
	_ =	sdelay $0x1  }
0xb7: {  	s29 =	srdreg.scid  }
0xb8: {  	s30 =	sshll.u32 s29, $0xD;
	s31 =	sshrl.u32 s29, $0x2  }
0xb9: {  	s1 =	sand.u32 $0x1, s29;
	s2 =	sand.u32 $0x4000, s30;
	s0 =	sadd.s32 s31, s28  }
0xba: {  	s1 =	sor.u32 s2, s1;
	s0 =	sshll.u32 s0, $0x11  }
0xbb: {  	s0 =	sor.u32 s0, s1  }
0xbc: {  	s0 =	sadd.s32 $0x8F2B, s0  }
0xbd: {  	[sflag:s0] =	ssyncadd.remote.s32 $0x1  }
0xbe: {  	_ =	sfence.sel $0xFFFF  }
0xbf: {  	[dreg:$0x0] =	wrdreg $0xFFFFFFFF;
	(pc) =	sbr.abs _section_cstart, $3  }
0xc0: {  	[dreg:$0x1] =	wrdreg $0xFFFFFFFF  }
0xc1: {  	_ =	task.clear_ibuf [dreg:s6], $0x2FFFF;
	_ =	strace $0x9FFFFFFF  }
0xc2: {  	(tm) =	ssettm $0x7FFFFFFF  }
0xc3: {  	_ =	shalt  }
tec
execute0_lowered:
.L_overlay_start_1:
0x0: {  	(tag) =	ssettag $0x1  }
0x1: {  	s2 =	rddreg [dreg:$0x0]  }
0x2: {  	s3 =	rddreg [dreg:$0x1]  }
0x3: {  	s4 =	rddreg [dreg:$0x2]  }
0x4: {  	s0 =	rddreg [dreg:$0x3];
	s5 =	simm.s32 $0x0;
	s1 =	stileid.u32  }
0x5: {  	[smem:$0x7FF] =	sst s5;
	s6 =	sshll.u32 s1, $0x7  }
0x6: {  	s16 =	simm.s32 $0x2;
	_ =	strace $0x80000047;
	s3 =	sadd.s32 s3, s6  }
0x7: {  	[tilespmem:s5], [sflag:$0x2] =	stream.linear.gather [hbm4b:s3+s5], $0x400, $0x38;
	[tilespmem:$0x10400] =	vst v63  }
0x8: {  	_ =	swait.ge [sflag:s16], $0x400  }
0x9: {  	s17 =	simm.s32 $0x80;
	[sflag:s16] =	ssyncset.done $0x0  }
0xa: {  	s7 =	simm.s32 $0x400;
	s2 =	sadd.s32 $0xF42A00, s2;
	[sflag:s16] =	ssyncadd.s32 $0xFFFFFC00  }
0xb: {  	[tilespmem:s7], [sflag:$0x1] =	stream.indirect.gather [hbm4b:s2+s17], $0x40, s5, s17, $0xb8;
	[tilespmem:$0x10400] =	vst v63  }
0xc: {  	s8 =	simm.s32 $0x2400  }
0xd: {  	[tilespmem:s8], [sflag:$0x1] =	stream.indirect.gather [hbm4b:s2+s17], $0x40, s17, s17, $0xb8;
	[tilespmem:$0x10400] =	vst v63  }
0xe: {  	s18 =	simm.s32 $0x100;
	s9 =	simm.s32 $0x4400  }
0xf: {  	[tilespmem:s9], [sflag:$0x1] =	stream.indirect.gather [hbm4b:s2+s17], $0x40, s18, s17, $0xb8;
	[tilespmem:$0x10400] =	vst v63  }
0x10: {  	s19 =	simm.s32 $0x180;
	s20 =	simm.s32 $0x6400  }
0x11: {  	[tilespmem:s20], [sflag:$0x1] =	stream.indirect.gather [hbm4b:s2+s17], $0x40, s19, s17, $0xb8;
	[tilespmem:$0x10400] =	vst v63  }
0x12: {  	s21 =	simm.s32 $0x200;
	s22 =	simm.s32 $0x8400  }
0x13: {  	[tilespmem:s22], [sflag:$0x1] =	stream.indirect.gather [hbm4b:s2+s17], $0x40, s21, s17, $0xb8;
	[tilespmem:$0x10400] =	vst v63  }
0x14: {  	s23 =	simm.s32 $0x280;
	s24 =	simm.s32 $0xA400  }
0x15: {  	[tilespmem:s24], [sflag:$0x1] =	stream.indirect.gather [hbm4b:s2+s17], $0x40, s23, s17, $0xb8;
	[tilespmem:$0x10400] =	vst v63  }
0x16: {  	s25 =	simm.s32 $0x300;
	s26 =	simm.s32 $0xC400  }
0x17: {  	[tilespmem:s26], [sflag:$0x1] =	stream.indirect.gather [hbm4b:s2+s17], $0x40, s25, s17, $0xb8;
	[tilespmem:$0x10400] =	vst v63  }
0x18: {  	s28 =	simm.s32 $0x380;
	s29 =	simm.s32 $0xE400;
	s30 =	simm.s32 $0x1  }
0x19: {  	[tilespmem:s29], [sflag:$0x1] =	stream.indirect.gather [hbm4b:s2+s17], $0x40, s28, s17, $0xb8;
	[tilespmem:$0x10400] =	vst v63  }
0x1a: {  	_ =	swait.ge [sflag:s30], $0x2000  }
0x1b: {  	[sflag:s30] =	ssyncset.done $0x0  }
0x1c: {  	[sflag:s30] =	ssyncadd.s32 $0xFFFFE000  }
0x1d: {  	_ =	swait.ge [sflag:s30], $0x2000  }
0x1e: {  	[sflag:s30] =	ssyncset.done $0x0  }
0x1f: {  	[sflag:s30] =	ssyncadd.s32 $0xFFFFE000  }
0x20: {  	_ =	swait.ge [sflag:s30], $0x2000  }
0x21: {  	[sflag:s30] =	ssyncset.done $0x0  }
0x22: {  	[sflag:s30] =	ssyncadd.s32 $0xFFFFE000  }
0x23: {  	_ =	swait.ge [sflag:s30], $0x2000  }
0x24: {  	[sflag:s30] =	ssyncset.done $0x0  }
0x25: {  	[sflag:s30] =	ssyncadd.s32 $0xFFFFE000  }
0x26: {  	_ =	swait.ge [sflag:s30], $0x2000  }
0x27: {  	[sflag:s30] =	ssyncset.done $0x0  }
0x28: {  	[sflag:s30] =	ssyncadd.s32 $0xFFFFE000  }
0x29: {  	_ =	swait.ge [sflag:s30], $0x2000  }
0x2a: {  	[sflag:s30] =	ssyncset.done $0x0  }
0x2b: {  	[sflag:s30] =	ssyncadd.s32 $0xFFFFE000  }
0x2c: {  	_ =	swait.ge [sflag:s30], $0x2000  }
0x2d: {  	[sflag:s30] =	ssyncset.done $0x0  }
0x2e: {  	[sflag:s30] =	ssyncadd.s32 $0xFFFFE000  }
0x2f: {  	_ =	swait.ge [sflag:s30], $0x2000  }
0x30: {  	s31 =	sshll.u32 s1, $0xD;
	[sflag:s30] =	ssyncset.done $0x0  }
0x31: {  	s4 =	sadd.s32 s4, s31;
	[sflag:s30] =	ssyncadd.s32 $0xFFFFE000  }
0x32: {  	[hbm4b:s4+s5] =	stream.linear.scatter [tilespmem:s7], [sflag:$0x2], $0x10000, $0x38;
	[tilespmem:$0x10400] =	vst v63  }
0x33: {  	_ =	swait.ge [sflag:s16], $0x10000  }
0x34: {  	[sflag:s16] =	ssyncset.done $0x0  }
0x35: {  	[sflag:s16] =	ssyncadd.s32 $0xFFFF0000  }
0x36: {  	_ =	sfence.sel $0x180000  }
0x37: {  	[bflag:$0x0] =	sbarrier.arrive $0xFFFF  }
0x38: {  	p0 =	sne.s32 s1, $0x0;
	_ =	strace $0x90000047  }
0x39: {  	s0 =	sadd.s32 @!p0 $0x100000, s0;
	[bflag:$0x2] =	sbarrier.arrive $0xFFFF  }
0x3a: {  	[sflag:s0] =	ssyncadd.tile.s32 @!p0 $0x1;
	_ =	shalt  }
.Lfunc_end2:
_tile_overlayer_lowered:
.L_overlay_start_2:
0x3b: {  	(tag) =	ssettag $0x2  }
0x3c: {  	s0 =	rddreg [dreg:$0x0];
	s2 =	stileid.u32  }
0x3d: {  	s1 =	rddreg [dreg:$0x1];
	p0 =	sne.s32 s2, $0x0  }
0x3e: {  	s3 =	rddreg [dreg:$0x2];
	[bflag:$0x3] =	sbarrier.arrive $0xFFFF;
	s2 =	simm.s32 @!p0 $0x1C02  }
0x3f: {  	[timem:s3], [sflag:s2] =	dma.local @!p0 [hbm:s0], s1  }
0x40: {  	s0 =	simm.s32 @!p0 $0x2  }
0x41: {  	_ =	swait.ge @!p0 [sflag:s0], s1  }
0x42: {  	s1 =	ssub.s32 @!p0 $0x0, s1;
	[sflag:s0] =	ssyncset.done @!p0 $0x0  }
0x43: {  	[sflag:s0] =	ssyncadd.s32 @!p0 s1  }
0x44: {  	[bflag:$0x3] =	sbarrier.arrive $0xFFFF  }
0x45: {  	_ =	shalt  }

</sc_bundles>
